<compile_context>
chip_gen: v7x
topology: tpu7x:2x2x1
jax: 0.10.2.dev20260603
libtpu: 0.0.44.dev20260713+nightly
codegen_flags: <defaults>
</compile_context>

<pallas_src>
import functools

import jax
import jax.numpy as jnp
from jax import lax
from jax.experimental import pallas as pl
from jax.experimental.pallas import tpu as pltpu
from jax.experimental.pallas import tpu_sc as plsc

_NUM_ELEMENTS = 118
_EMB = 64
_NUM_GRAPHS = 64
_FBLOCK = 10000
_LANES = 16
_NBINS = 128
_UNROLL = 1


def _tc_table_body(emb_ref, w1_ref, b1_ref, w2_ref, b2_ref,
                   w3_ref, b3_ref, table_ref, fzero_ref):
    h1 = jax.nn.silu(
        jnp.dot(emb_ref[...], w1_ref[...],
                preferred_element_type=jnp.float32) + b1_ref[...])
    h2 = jax.nn.silu(
        jnp.dot(h1, w2_ref[...],
                preferred_element_type=jnp.float32) + b2_ref[...])
    table_ref[...] = (
        jnp.dot(h2, w3_ref[...],
                preferred_element_type=jnp.float32) + b3_ref[...])
    fzero_ref[...] = jnp.zeros_like(fzero_ref)


def _tc_reduce_body(p_ref, e_ref):
    s = jnp.sum(p_ref[...], axis=0, keepdims=True)
    e_ref[...] = s[:, :_NUM_GRAPHS] + s[:, _NUM_GRAPHS:]


def _make_sc_segsum(num_workers, chunk):
    mesh = plsc.VectorSubcoreMesh(core_axis_name="c", subcore_axis_name="s")
    acc_size = _LANES * _NBINS

    @functools.partial(
        pl.kernel,
        mesh=mesh,
        out_type=jax.ShapeDtypeStruct((num_workers * _NUM_GRAPHS,),
                                      jnp.float32),
        compiler_params=pltpu.CompilerParams(needs_layout_passes=False),
        scratch_types=[
            pltpu.VMEM((_NBINS,), jnp.float32),
            pltpu.VMEM((chunk,), jnp.int32),
            pltpu.VMEM((chunk,), jnp.int32),
            pltpu.VMEM((acc_size,), jnp.float32),
            pltpu.VMEM((_NUM_GRAPHS,), jnp.float32),
        ],
    )
    def _sc_segsum(table_hbm, z_hbm, b_hbm, out_hbm,
                   table_v, z_v, b_v, acc_v, e_v):
        wid = lax.axis_index("s") * 2 + lax.axis_index("c")
        base = wid * chunk
        pltpu.sync_copy(table_hbm, table_v)
        pltpu.sync_copy(z_hbm.at[pl.ds(base, chunk)], z_v)
        pltpu.sync_copy(b_hbm.at[pl.ds(base, chunk)], b_v)

        zero16 = jnp.zeros((_LANES,), jnp.float32)

        def _zinit(i, carry):
            acc_v[pl.ds(i * _LANES, _LANES)] = zero16
            return carry

        lax.fori_loop(0, acc_size // _LANES, _zinit, 0)

        lane_off = lax.iota(jnp.int32, _LANES) * _NBINS

        unroll = _UNROLL
        assert chunk % (_LANES * unroll) == 0

        def _accumulate(i, carry):
            base = i * (_LANES * unroll)
            for u in range(unroll):
                zz = z_v[pl.ds(base + u * _LANES, _LANES)]
                bb = b_v[pl.ds(base + u * _LANES, _LANES)]
                val = plsc.load_gather(table_v, [zz])
                plsc.addupdate_scatter(acc_v, [lane_off + bb], val)
            return carry

        lax.fori_loop(0, chunk // (_LANES * unroll), _accumulate, 0)

        for k in range(_NUM_GRAPHS // _LANES):
            s = zero16
            for l in range(_LANES):
                s = s + acc_v[pl.ds(l * _NBINS + k * _LANES, _LANES)]
            e_v[pl.ds(k * _LANES, _LANES)] = s

        pltpu.sync_copy(e_v, out_hbm.at[pl.ds(wid * _NUM_GRAPHS,
                                              _NUM_GRAPHS)])

    return _sc_segsum


def kernel(positions, atomic_numbers, edge_index, batch, embed,
           W1, b1, W2, b2, W3, b3):
    n = atomic_numbers.shape[0]
    info = plsc.get_sparse_core_info()
    num_workers = info.num_cores * info.num_subcores
    step = _LANES * _UNROLL
    chunk = -(-n // (num_workers * step)) * step
    n_pad = num_workers * chunk

    z_flat = jnp.pad(atomic_numbers.astype(jnp.int32), (0, n_pad - n))
    b_flat = jnp.pad(batch.astype(jnp.int32), (0, n_pad - n),
                     constant_values=_NUM_GRAPHS)

    emb128 = jnp.zeros((128, _EMB), jnp.float32).at[:_NUM_ELEMENTS, :].set(
        embed.astype(jnp.float32))
    b1r = b1.astype(jnp.float32).reshape(1, -1)
    b2r = b2.astype(jnp.float32).reshape(1, -1)
    b3r = b3.astype(jnp.float32).reshape(1, 1)

    table2d, fzero = pl.pallas_call(
        _tc_table_body,
        out_shape=[
            jax.ShapeDtypeStruct((128, 1), jnp.float32),
            jax.ShapeDtypeStruct((1, 1), jnp.float32),
        ],
    )(emb128, W1.astype(jnp.float32), b1r,
      W2.astype(jnp.float32), b2r, W3.astype(jnp.float32), b3r)

    forces = jnp.broadcast_to(fzero.reshape(()), (n, 3))

    table_flat = table2d.reshape(128)
    partial = _make_sc_segsum(num_workers, chunk)(table_flat, z_flat, b_flat)
    partial2d = partial.reshape(num_workers * _NUM_GRAPHS // 128, 128)

    energy2d = pl.pallas_call(
        _tc_reduce_body,
        out_shape=jax.ShapeDtypeStruct((1, _NUM_GRAPHS), jnp.float32),
    )(partial2d)
    return energy2d.reshape(_NUM_GRAPHS), forces

# --- scband reference (transcript-rebuilt; emitter-appended) ---
"""Pipeline reference for scband-maceactor-57698590655193 (READ-ONLY COPY).

The authoritative reference and input builder live on the scoring server;
editing this copy changes nothing except your own understanding.
"""

import jax, jax.numpy as jnp
import numpy as np

N = 100000
E = 3200000
NUM_ELEMENTS = 118
EMB = 64
NUM_GRAPHS = 64


def setup_inputs(seed: int = 0) -> dict:
    key = jax.random.key(seed)
    ks = jax.random.split(key, 10)
    positions = jax.random.normal(ks[0], (N, 3), dtype=jnp.float32)
    atomic_numbers = jax.random.randint(ks[1], (N,), 0, NUM_ELEMENTS, dtype=jnp.int64 if jax.config.read('jax_enable_x64') else jnp.int32)
    edge_index = jax.random.randint(ks[2], (2, E), 0, N)
    batch = jnp.sort(jax.random.randint(ks[3], (N,), 0, NUM_GRAPHS))
    embed = jax.random.normal(ks[4], (NUM_ELEMENTS, EMB), dtype=jnp.float32) * 0.1
    W1 = jax.random.normal(ks[5], (EMB, 128), dtype=jnp.float32) * (1.0 / np.sqrt(EMB))
    b1 = jnp.zeros((128,), dtype=jnp.float32)
    W2 = jax.random.normal(ks[6], (128, 128), dtype=jnp.float32) * (1.0 / np.sqrt(128))
    b2 = jnp.zeros((128,), dtype=jnp.float32)
    W3 = jax.random.normal(ks[7], (128, 1), dtype=jnp.float32) * (1.0 / np.sqrt(128))
    b3 = jnp.zeros((1,), dtype=jnp.float32)
    return {
        'positions': positions,
        'atomic_numbers': atomic_numbers,
        'edge_index': edge_index,
        'batch': batch,
        'embed': embed,
        'W1': W1, 'b1': b1,
        'W2': W2, 'b2': b2,
        'W3': W3, 'b3': b3,
    }


def reference(positions, atomic_numbers, edge_index, batch, embed, W1, b1, W2, b2, W3, b3):
    # Faithful translation of MACEActor.forward with the _MinimalPotential fallback
    # (MACE library not installed -> _MinimalPotential is used).
    num_seg = NUM_GRAPHS

    def energy_fn(pos):
        # h = self.embed(z)
        h = embed[atomic_numbers]  # gather: (N, 64)
        # pos_feat = pos.sum(dim=-1, keepdim=True).expand_as(h[:, :1])
        pos_feat = jnp.broadcast_to(pos.sum(axis=-1, keepdims=True), h[:, :1].shape)
        hh = h + 0.0 * pos_feat
        # mlp: Linear(64,128) SiLU Linear(128,128) SiLU Linear(128,1)
        h1 = jax.nn.silu(hh @ W1 + b1)
        h2 = jax.nn.silu(h1 @ W2 + b2)
        per_atom = (h2 @ W3 + b3)[:, 0]
        # energy.scatter_add_(0, batch, per_atom)
        energy = jnp.zeros((num_seg,), dtype=per_atom.dtype).at[batch].add(per_atom)
        return energy

    energy = energy_fn(positions)
    # forces = -grad(energy.sum(), positions)
    forces = -jax.grad(lambda p: energy_fn(p).sum())(positions)
    return (energy, forces)

if __name__ == "__main__":
    import jax
    _d = setup_inputs()
    print(jax.jit(kernel)(*tuple(_d.values())))

</pallas_src>

<mosaic_0001>
#map = affine_map<(d0, d1) -> (0)>
module attributes {stable_mosaic.version = 14 : i64} {
  func.func @_sc_segsum(%arg0: i32, %arg1: i32, %arg2: memref<128xf32, #tpu.memory_space<hbm>>, %arg3: memref<100352xi32, #tpu.memory_space<hbm>>, %arg4: memref<100352xi32, #tpu.memory_space<hbm>>, %arg5: memref<2048xf32, #tpu.memory_space<hbm>>, %arg6: memref<128xf32, #tpu.memory_space<vmem>>, %arg7: memref<3136xi32, #tpu.memory_space<vmem>>, %arg8: memref<3136xi32, #tpu.memory_space<vmem>>, %arg9: memref<2048xf32, #tpu.memory_space<vmem>>, %arg10: memref<64xf32, #tpu.memory_space<vmem>>) attributes {dimension_semantics = [#tpu.dimension_semantics<core_parallel>, #tpu.dimension_semantics<subcore_parallel>], iteration_bounds = array<i64: 2, 16>, scalar_prefetch = 0 : i64, scratch_operands = 5 : i64, tpu.core_type = #tpu.core_type<sc_vector_subcore>, window_params = [{transform_indices = #map}, {transform_indices = #map}, {transform_indices = #map}, {transform_indices = #map}]} {
    %mul3A = arith.constant 2 : i32
    %mul3A_0 = arith.muli %arg1, %mul3A : i32
    %add3A = arith.addi %mul3A_0, %arg0 : i32
    %mul3A_1 = arith.constant 3136 : i32
    %mul3A_2 = arith.muli %add3A, %mul3A_1 : i32
    "tpu.region"() ({
      %run_scoped3A = tpu.sem_alloc : memref<!tpu.dma_semaphore, #tpu.memory_space<semaphore_mem>>
      tpu.enqueue_dma source(%arg2 : memref<128xf32, #tpu.memory_space<hbm>>) target(%arg6 : memref<128xf32, #tpu.memory_space<vmem>>) target_semaphore(%run_scoped3A : memref<!tpu.dma_semaphore, #tpu.memory_space<semaphore_mem>>)
      tpu.wait_dma2 semaphore(%run_scoped3A : memref<!tpu.dma_semaphore, #tpu.memory_space<semaphore_mem>>) src(%arg2 : memref<128xf32, #tpu.memory_space<hbm>>) dst(%arg6 : memref<128xf32, #tpu.memory_space<vmem>>)
      tpu.yield
    }) : () -> ()
    "tpu.region"() ({
      %run_scoped3A = tpu.sem_alloc : memref<!tpu.dma_semaphore, #tpu.memory_space<semaphore_mem>>
      %dma_start3A = tpu.memref_slice %arg3[%mul3A_2] : memref<100352xi32, #tpu.memory_space<hbm>> -> memref<3136xi32, #tpu.memory_space<hbm>>
      %dma_start3A_218 = tpu.memref_slice %arg3[%mul3A_2] : memref<100352xi32, #tpu.memory_space<hbm>> -> memref<3136xi32, #tpu.memory_space<hbm>>
      tpu.enqueue_dma source(%dma_start3A_218 : memref<3136xi32, #tpu.memory_space<hbm>>) target(%arg7 : memref<3136xi32, #tpu.memory_space<vmem>>) target_semaphore(%run_scoped3A : memref<!tpu.dma_semaphore, #tpu.memory_space<semaphore_mem>>)
      %dma_wait3A = tpu.memref_slice %arg3[%mul3A_2] : memref<100352xi32, #tpu.memory_space<hbm>> -> memref<3136xi32, #tpu.memory_space<hbm>>
      %dma_wait3A_219 = tpu.memref_slice %arg3[%mul3A_2] : memref<100352xi32, #tpu.memory_space<hbm>> -> memref<3136xi32, #tpu.memory_space<hbm>>
      tpu.wait_dma2 semaphore(%run_scoped3A : memref<!tpu.dma_semaphore, #tpu.memory_space<semaphore_mem>>) src(%dma_wait3A_219 : memref<3136xi32, #tpu.memory_space<hbm>>) dst(%arg7 : memref<3136xi32, #tpu.memory_space<vmem>>)
      tpu.yield
    }) : () -> ()
    "tpu.region"() ({
      %run_scoped3A = tpu.sem_alloc : memref<!tpu.dma_semaphore, #tpu.memory_space<semaphore_mem>>
      %dma_start3A = tpu.memref_slice %arg4[%mul3A_2] : memref<100352xi32, #tpu.memory_space<hbm>> -> memref<3136xi32, #tpu.memory_space<hbm>>
      %dma_start3A_218 = tpu.memref_slice %arg4[%mul3A_2] : memref<100352xi32, #tpu.memory_space<hbm>> -> memref<3136xi32, #tpu.memory_space<hbm>>
      tpu.enqueue_dma source(%dma_start3A_218 : memref<3136xi32, #tpu.memory_space<hbm>>) target(%arg8 : memref<3136xi32, #tpu.memory_space<vmem>>) target_semaphore(%run_scoped3A : memref<!tpu.dma_semaphore, #tpu.memory_space<semaphore_mem>>)
      %dma_wait3A = tpu.memref_slice %arg4[%mul3A_2] : memref<100352xi32, #tpu.memory_space<hbm>> -> memref<3136xi32, #tpu.memory_space<hbm>>
      %dma_wait3A_219 = tpu.memref_slice %arg4[%mul3A_2] : memref<100352xi32, #tpu.memory_space<hbm>> -> memref<3136xi32, #tpu.memory_space<hbm>>
      tpu.wait_dma2 semaphore(%run_scoped3A : memref<!tpu.dma_semaphore, #tpu.memory_space<semaphore_mem>>) src(%dma_wait3A_219 : memref<3136xi32, #tpu.memory_space<hbm>>) dst(%arg8 : memref<3136xi32, #tpu.memory_space<vmem>>)
      tpu.yield
    }) : () -> ()
    %broadcast_in_dim3A = arith.constant 0.000000e+00 : f32
    %broadcast_in_dim3A_3 = vector.broadcast %broadcast_in_dim3A : f32 to vector<16xf32>
    %scan3A = arith.constant 0 : i32
    %scan3A_4 = arith.constant 0 : i32
    %scan3A_5 = arith.constant 128 : i32
    %scan3A_6 = arith.addi %scan3A_4, %scan3A_5 : i32
    %scan3A_7 = arith.constant 1 : i32
    scf.for %scan3A_218 = %scan3A_4 to %scan3A_6 step %scan3A_7  : i32 {
      %mul3A_219 = arith.constant 16 : i32
      %mul3A_220 = arith.muli %scan3A_218, %mul3A_219 : i32
      %swap3A_221 = arith.index_cast %mul3A_220 : i32 to index
      %swap3A_222 = tpu.vector_load %arg9[%swap3A_221] {strides = array<i32>} : memref<2048xf32, #tpu.memory_space<vmem>>, vector<16xf32>,
      tpu.vector_store %arg9[%swap3A_221], %broadcast_in_dim3A_3 {strides = array<i32>} : memref<2048xf32, #tpu.memory_space<vmem>>, vector<16xf32>,
    }
    %scan3A_8 = arith.constant 128 : i32
    %iota3A = tpu.iota {dimensions = array<i32: 0>} : vector<16xi32>
    %mul3A_9 = arith.constant 128 : i32
    %mul3A_10 = vector.broadcast %mul3A_9 : i32 to vector<16xi32>
    %mul3A_11 = arith.muli %iota3A, %mul3A_10 : vector<16xi32>
    %scan3A_12 = arith.constant 0 : i32
    %scan3A_13 = arith.constant 0 : i32
    %scan3A_14 = arith.constant 196 : i32
    %scan3A_15 = arith.addi %scan3A_13, %scan3A_14 : i32
    %scan3A_16 = arith.constant 1 : i32
    scf.for %scan3A_218 = %scan3A_13 to %scan3A_15 step %scan3A_16  : i32 {
      %mul3A_219 = arith.constant 16 : i32
      %mul3A_220 = arith.muli %scan3A_218, %mul3A_219 : i32
      %add3A_221 = arith.constant 0 : i32
      %add3A_222 = arith.addi %mul3A_220, %add3A_221 : i32
      %get3A_223 = arith.index_cast %add3A_222 : i32 to index
      %get3A_224 = tpu.vector_load %arg7[%get3A_223] {strides = array<i32>} : memref<3136xi32, #tpu.memory_space<vmem>>, vector<16xi32>,
      %add3A_225 = arith.constant 0 : i32
      %add3A_226 = arith.addi %mul3A_220, %add3A_225 : i32
      %get3A_227 = arith.index_cast %add3A_226 : i32 to index
      %get3A_228 = tpu.vector_load %arg8[%get3A_227] {strides = array<i32>} : memref<3136xi32, #tpu.memory_space<vmem>>, vector<16xi32>,
      %gather3A = tpu.vector_load_idx %arg6[%get3A_224] : memref<128xf32, #tpu.memory_space<vmem>>[vector<16xi32>], vector<16xf32>,
      %add3A_229 = arith.addi %mul3A_11, %get3A_228 : vector<16xi32>
      tpu.vector_store_idx %arg9[%add3A_229], %gather3A {add = true} : memref<2048xf32, #tpu.memory_space<vmem>>[vector<16xi32>], vector<16xf32>,
    }
    %scan3A_17 = arith.constant 196 : i32
    %get3A = arith.constant 0 : index
    %get3A_18 = tpu.vector_load %arg9[%get3A] {strides = array<i32>} : memref<2048xf32, #tpu.memory_space<vmem>>, vector<16xf32>,
    %add3A_19 = arith.addf %broadcast_in_dim3A_3, %get3A_18 : vector<16xf32>
    %get3A_20 = arith.constant 128 : index
    %get3A_21 = tpu.vector_load %arg9[%get3A_20] {strides = array<i32>} : memref<2048xf32, #tpu.memory_space<vmem>>, vector<16xf32>,
    %add3A_22 = arith.addf %add3A_19, %get3A_21 : vector<16xf32>
    %get3A_23 = arith.constant 256 : index
    %get3A_24 = tpu.vector_load %arg9[%get3A_23] {strides = array<i32>} : memref<2048xf32, #tpu.memory_space<vmem>>, vector<16xf32>,
    %add3A_25 = arith.addf %add3A_22, %get3A_24 : vector<16xf32>
    %get3A_26 = arith.constant 384 : index
    %get3A_27 = tpu.vector_load %arg9[%get3A_26] {strides = array<i32>} : memref<2048xf32, #tpu.memory_space<vmem>>, vector<16xf32>,
    %add3A_28 = arith.addf %add3A_25, %get3A_27 : vector<16xf32>
    %get3A_29 = arith.constant 512 : index
    %get3A_30 = tpu.vector_load %arg9[%get3A_29] {strides = array<i32>} : memref<2048xf32, #tpu.memory_space<vmem>>, vector<16xf32>,
    %add3A_31 = arith.addf %add3A_28, %get3A_30 : vector<16xf32>
    %get3A_32 = arith.constant 640 : index
    %get3A_33 = tpu.vector_load %arg9[%get3A_32] {strides = array<i32>} : memref<2048xf32, #tpu.memory_space<vmem>>, vector<16xf32>,
    %add3A_34 = arith.addf %add3A_31, %get3A_33 : vector<16xf32>
    %get3A_35 = arith.constant 768 : index
    %get3A_36 = tpu.vector_load %arg9[%get3A_35] {strides = array<i32>} : memref<2048xf32, #tpu.memory_space<vmem>>, vector<16xf32>,
    %add3A_37 = arith.addf %add3A_34, %get3A_36 : vector<16xf32>
    %get3A_38 = arith.constant 896 : index
    %get3A_39 = tpu.vector_load %arg9[%get3A_38] {strides = array<i32>} : memref<2048xf32, #tpu.memory_space<vmem>>, vector<16xf32>,
    %add3A_40 = arith.addf %add3A_37, %get3A_39 : vector<16xf32>
    %get3A_41 = arith.constant 1024 : index
    %get3A_42 = tpu.vector_load %arg9[%get3A_41] {strides = array<i32>} : memref<2048xf32, #tpu.memory_space<vmem>>, vector<16xf32>,
    %add3A_43 = arith.addf %add3A_40, %get3A_42 : vector<16xf32>
    %get3A_44 = arith.constant 1152 : index
    %get3A_45 = tpu.vector_load %arg9[%get3A_44] {strides = array<i32>} : memref<2048xf32, #tpu.memory_space<vmem>>, vector<16xf32>,
    %add3A_46 = arith.addf %add3A_43, %get3A_45 : vector<16xf32>
    %get3A_47 = arith.constant 1280 : index
    %get3A_48 = tpu.vector_load %arg9[%get3A_47] {strides = array<i32>} : memref<2048xf32, #tpu.memory_space<vmem>>, vector<16xf32>,
    %add3A_49 = arith.addf %add3A_46, %get3A_48 : vector<16xf32>
    %get3A_50 = arith.constant 1408 : index
    %get3A_51 = tpu.vector_load %arg9[%get3A_50] {strides = array<i32>} : memref<2048xf32, #tpu.memory_space<vmem>>, vector<16xf32>,
    %add3A_52 = arith.addf %add3A_49, %get3A_51 : vector<16xf32>
    %get3A_53 = arith.constant 1536 : index
    %get3A_54 = tpu.vector_load %arg9[%get3A_53] {strides = array<i32>} : memref<2048xf32, #tpu.memory_space<vmem>>, vector<16xf32>,
    %add3A_55 = arith.addf %add3A_52, %get3A_54 : vector<16xf32>
    %get3A_56 = arith.constant 1664 : index
    %get3A_57 = tpu.vector_load %arg9[%get3A_56] {strides = array<i32>} : memref<2048xf32, #tpu.memory_space<vmem>>, vector<16xf32>,
    %add3A_58 = arith.addf %add3A_55, %get3A_57 : vector<16xf32>
    %get3A_59 = arith.constant 1792 : index
    %get3A_60 = tpu.vector_load %arg9[%get3A_59] {strides = array<i32>} : memref<2048xf32, #tpu.memory_space<vmem>>, vector<16xf32>,
    %add3A_61 = arith.addf %add3A_58, %get3A_60 : vector<16xf32>
    %get3A_62 = arith.constant 1920 : index
    %get3A_63 = tpu.vector_load %arg9[%get3A_62] {strides = array<i32>} : memref<2048xf32, #tpu.memory_space<vmem>>, vector<16xf32>,
    %add3A_64 = arith.addf %add3A_61, %get3A_63 : vector<16xf32>
    %swap3A = arith.constant 0 : index
    %swap3A_65 = tpu.vector_load %arg10[%swap3A] {strides = array<i32>} : memref<64xf32, #tpu.memory_space<vmem>>, vector<16xf32>,
    tpu.vector_store %arg10[%swap3A], %add3A_64 {strides = array<i32>} : memref<64xf32, #tpu.memory_space<vmem>>, vector<16xf32>,
    %get3A_66 = arith.constant 16 : index
    %get3A_67 = tpu.vector_load %arg9[%get3A_66] {strides = array<i32>} : memref<2048xf32, #tpu.memory_space<vmem>>, vector<16xf32>,
    %add3A_68 = arith.addf %broadcast_in_dim3A_3, %get3A_67 : vector<16xf32>
    %get3A_69 = arith.constant 144 : index
    %get3A_70 = tpu.vector_load %arg9[%get3A_69] {strides = array<i32>} : memref<2048xf32, #tpu.memory_space<vmem>>, vector<16xf32>,
    %add3A_71 = arith.addf %add3A_68, %get3A_70 : vector<16xf32>
    %get3A_72 = arith.constant 272 : index
    %get3A_73 = tpu.vector_load %arg9[%get3A_72] {strides = array<i32>} : memref<2048xf32, #tpu.memory_space<vmem>>, vector<16xf32>,
    %add3A_74 = arith.addf %add3A_71, %get3A_73 : vector<16xf32>
    %get3A_75 = arith.constant 400 : index
    %get3A_76 = tpu.vector_load %arg9[%get3A_75] {strides = array<i32>} : memref<2048xf32, #tpu.memory_space<vmem>>, vector<16xf32>,
    %add3A_77 = arith.addf %add3A_74, %get3A_76 : vector<16xf32>
    %get3A_78 = arith.constant 528 : index
    %get3A_79 = tpu.vector_load %arg9[%get3A_78] {strides = array<i32>} : memref<2048xf32, #tpu.memory_space<vmem>>, vector<16xf32>,
    %add3A_80 = arith.addf %add3A_77, %get3A_79 : vector<16xf32>
    %get3A_81 = arith.constant 656 : index
    %get3A_82 = tpu.vector_load %arg9[%get3A_81] {strides = array<i32>} : memref<2048xf32, #tpu.memory_space<vmem>>, vector<16xf32>,
    %add3A_83 = arith.addf %add3A_80, %get3A_82 : vector<16xf32>
    %get3A_84 = arith.constant 784 : index
    %get3A_85 = tpu.vector_load %arg9[%get3A_84] {strides = array<i32>} : memref<2048xf32, #tpu.memory_space<vmem>>, vector<16xf32>,
    %add3A_86 = arith.addf %add3A_83, %get3A_85 : vector<16xf32>
    %get3A_87 = arith.constant 912 : index
    %get3A_88 = tpu.vector_load %arg9[%get3A_87] {strides = array<i32>} : memref<2048xf32, #tpu.memory_space<vmem>>, vector<16xf32>,
    %add3A_89 = arith.addf %add3A_86, %get3A_88 : vector<16xf32>
    %get3A_90 = arith.constant 1040 : index
    %get3A_91 = tpu.vector_load %arg9[%get3A_90] {strides = array<i32>} : memref<2048xf32, #tpu.memory_space<vmem>>, vector<16xf32>,
    %add3A_92 = arith.addf %add3A_89, %get3A_91 : vector<16xf32>
    %get3A_93 = arith.constant 1168 : index
    %get3A_94 = tpu.vector_load %arg9[%get3A_93] {strides = array<i32>} : memref<2048xf32, #tpu.memory_space<vmem>>, vector<16xf32>,
    %add3A_95 = arith.addf %add3A_92, %get3A_94 : vector<16xf32>
    %get3A_96 = arith.constant 1296 : index
    %get3A_97 = tpu.vector_load %arg9[%get3A_96] {strides = array<i32>} : memref<2048xf32, #tpu.memory_space<vmem>>, vector<16xf32>,
    %add3A_98 = arith.addf %add3A_95, %get3A_97 : vector<16xf32>
    %get3A_99 = arith.constant 1424 : index
    %get3A_100 = tpu.vector_load %arg9[%get3A_99] {strides = array<i32>} : memref<2048xf32, #tpu.memory_space<vmem>>, vector<16xf32>,
    %add3A_101 = arith.addf %add3A_98, %get3A_100 : vector<16xf32>
    %get3A_102 = arith.constant 1552 : index
    %get3A_103 = tpu.vector_load %arg9[%get3A_102] {strides = array<i32>} : memref<2048xf32, #tpu.memory_space<vmem>>, vector<16xf32>,
    %add3A_104 = arith.addf %add3A_101, %get3A_103 : vector<16xf32>
    %get3A_105 = arith.constant 1680 : index
    %get3A_106 = tpu.vector_load %arg9[%get3A_105] {strides = array<i32>} : memref<2048xf32, #tpu.memory_space<vmem>>, vector<16xf32>,
    %add3A_107 = arith.addf %add3A_104, %get3A_106 : vector<16xf32>
    %get3A_108 = arith.constant 1808 : index
    %get3A_109 = tpu.vector_load %arg9[%get3A_108] {strides = array<i32>} : memref<2048xf32, #tpu.memory_space<vmem>>, vector<16xf32>,
    %add3A_110 = arith.addf %add3A_107, %get3A_109 : vector<16xf32>
    %get3A_111 = arith.constant 1936 : index
    %get3A_112 = tpu.vector_load %arg9[%get3A_111] {strides = array<i32>} : memref<2048xf32, #tpu.memory_space<vmem>>, vector<16xf32>,
    %add3A_113 = arith.addf %add3A_110, %get3A_112 : vector<16xf32>
    %swap3A_114 = arith.constant 16 : index
    %swap3A_115 = tpu.vector_load %arg10[%swap3A_114] {strides = array<i32>} : memref<64xf32, #tpu.memory_space<vmem>>, vector<16xf32>,
    tpu.vector_store %arg10[%swap3A_114], %add3A_113 {strides = array<i32>} : memref<64xf32, #tpu.memory_space<vmem>>, vector<16xf32>,
    %get3A_116 = arith.constant 32 : index
    %get3A_117 = tpu.vector_load %arg9[%get3A_116] {strides = array<i32>} : memref<2048xf32, #tpu.memory_space<vmem>>, vector<16xf32>,
    %add3A_118 = arith.addf %broadcast_in_dim3A_3, %get3A_117 : vector<16xf32>
    %get3A_119 = arith.constant 160 : index
    %get3A_120 = tpu.vector_load %arg9[%get3A_119] {strides = array<i32>} : memref<2048xf32, #tpu.memory_space<vmem>>, vector<16xf32>,
    %add3A_121 = arith.addf %add3A_118, %get3A_120 : vector<16xf32>
    %get3A_122 = arith.constant 288 : index
    %get3A_123 = tpu.vector_load %arg9[%get3A_122] {strides = array<i32>} : memref<2048xf32, #tpu.memory_space<vmem>>, vector<16xf32>,
    %add3A_124 = arith.addf %add3A_121, %get3A_123 : vector<16xf32>
    %get3A_125 = arith.constant 416 : index
    %get3A_126 = tpu.vector_load %arg9[%get3A_125] {strides = array<i32>} : memref<2048xf32, #tpu.memory_space<vmem>>, vector<16xf32>,
    %add3A_127 = arith.addf %add3A_124, %get3A_126 : vector<16xf32>
    %get3A_128 = arith.constant 544 : index
    %get3A_129 = tpu.vector_load %arg9[%get3A_128] {strides = array<i32>} : memref<2048xf32, #tpu.memory_space<vmem>>, vector<16xf32>,
    %add3A_130 = arith.addf %add3A_127, %get3A_129 : vector<16xf32>
    %get3A_131 = arith.constant 672 : index
    %get3A_132 = tpu.vector_load %arg9[%get3A_131] {strides = array<i32>} : memref<2048xf32, #tpu.memory_space<vmem>>, vector<16xf32>,
    %add3A_133 = arith.addf %add3A_130, %get3A_132 : vector<16xf32>
    %get3A_134 = arith.constant 800 : index
    %get3A_135 = tpu.vector_load %arg9[%get3A_134] {strides = array<i32>} : memref<2048xf32, #tpu.memory_space<vmem>>, vector<16xf32>,
    %add3A_136 = arith.addf %add3A_133, %get3A_135 : vector<16xf32>
    %get3A_137 = arith.constant 928 : index
    %get3A_138 = tpu.vector_load %arg9[%get3A_137] {strides = array<i32>} : memref<2048xf32, #tpu.memory_space<vmem>>, vector<16xf32>,
    %add3A_139 = arith.addf %add3A_136, %get3A_138 : vector<16xf32>
    %get3A_140 = arith.constant 1056 : index
    %get3A_141 = tpu.vector_load %arg9[%get3A_140] {strides = array<i32>} : memref<2048xf32, #tpu.memory_space<vmem>>, vector<16xf32>,
    %add3A_142 = arith.addf %add3A_139, %get3A_141 : vector<16xf32>
    %get3A_143 = arith.constant 1184 : index
    %get3A_144 = tpu.vector_load %arg9[%get3A_143] {strides = array<i32>} : memref<2048xf32, #tpu.memory_space<vmem>>, vector<16xf32>,
    %add3A_145 = arith.addf %add3A_142, %get3A_144 : vector<16xf32>
    %get3A_146 = arith.constant 1312 : index
    %get3A_147 = tpu.vector_load %arg9[%get3A_146] {strides = array<i32>} : memref<2048xf32, #tpu.memory_space<vmem>>, vector<16xf32>,
    %add3A_148 = arith.addf %add3A_145, %get3A_147 : vector<16xf32>
    %get3A_149 = arith.constant 1440 : index
    %get3A_150 = tpu.vector_load %arg9[%get3A_149] {strides = array<i32>} : memref<2048xf32, #tpu.memory_space<vmem>>, vector<16xf32>,
    %add3A_151 = arith.addf %add3A_148, %get3A_150 : vector<16xf32>
    %get3A_152 = arith.constant 1568 : index
    %get3A_153 = tpu.vector_load %arg9[%get3A_152] {strides = array<i32>} : memref<2048xf32, #tpu.memory_space<vmem>>, vector<16xf32>,
    %add3A_154 = arith.addf %add3A_151, %get3A_153 : vector<16xf32>
    %get3A_155 = arith.constant 1696 : index
    %get3A_156 = tpu.vector_load %arg9[%get3A_155] {strides = array<i32>} : memref<2048xf32, #tpu.memory_space<vmem>>, vector<16xf32>,
    %add3A_157 = arith.addf %add3A_154, %get3A_156 : vector<16xf32>
    %get3A_158 = arith.constant 1824 : index
    %get3A_159 = tpu.vector_load %arg9[%get3A_158] {strides = array<i32>} : memref<2048xf32, #tpu.memory_space<vmem>>, vector<16xf32>,
    %add3A_160 = arith.addf %add3A_157, %get3A_159 : vector<16xf32>
    %get3A_161 = arith.constant 1952 : index
    %get3A_162 = tpu.vector_load %arg9[%get3A_161] {strides = array<i32>} : memref<2048xf32, #tpu.memory_space<vmem>>, vector<16xf32>,
    %add3A_163 = arith.addf %add3A_160, %get3A_162 : vector<16xf32>
    %swap3A_164 = arith.constant 32 : index
    %swap3A_165 = tpu.vector_load %arg10[%swap3A_164] {strides = array<i32>} : memref<64xf32, #tpu.memory_space<vmem>>, vector<16xf32>,
    tpu.vector_store %arg10[%swap3A_164], %add3A_163 {strides = array<i32>} : memref<64xf32, #tpu.memory_space<vmem>>, vector<16xf32>,
    %get3A_166 = arith.constant 48 : index
    %get3A_167 = tpu.vector_load %arg9[%get3A_166] {strides = array<i32>} : memref<2048xf32, #tpu.memory_space<vmem>>, vector<16xf32>,
    %add3A_168 = arith.addf %broadcast_in_dim3A_3, %get3A_167 : vector<16xf32>
    %get3A_169 = arith.constant 176 : index
    %get3A_170 = tpu.vector_load %arg9[%get3A_169] {strides = array<i32>} : memref<2048xf32, #tpu.memory_space<vmem>>, vector<16xf32>,
    %add3A_171 = arith.addf %add3A_168, %get3A_170 : vector<16xf32>
    %get3A_172 = arith.constant 304 : index
    %get3A_173 = tpu.vector_load %arg9[%get3A_172] {strides = array<i32>} : memref<2048xf32, #tpu.memory_space<vmem>>, vector<16xf32>,
    %add3A_174 = arith.addf %add3A_171, %get3A_173 : vector<16xf32>
    %get3A_175 = arith.constant 432 : index
    %get3A_176 = tpu.vector_load %arg9[%get3A_175] {strides = array<i32>} : memref<2048xf32, #tpu.memory_space<vmem>>, vector<16xf32>,
    %add3A_177 = arith.addf %add3A_174, %get3A_176 : vector<16xf32>
    %get3A_178 = arith.constant 560 : index
    %get3A_179 = tpu.vector_load %arg9[%get3A_178] {strides = array<i32>} : memref<2048xf32, #tpu.memory_space<vmem>>, vector<16xf32>,
    %add3A_180 = arith.addf %add3A_177, %get3A_179 : vector<16xf32>
    %get3A_181 = arith.constant 688 : index
    %get3A_182 = tpu.vector_load %arg9[%get3A_181] {strides = array<i32>} : memref<2048xf32, #tpu.memory_space<vmem>>, vector<16xf32>,
    %add3A_183 = arith.addf %add3A_180, %get3A_182 : vector<16xf32>
    %get3A_184 = arith.constant 816 : index
    %get3A_185 = tpu.vector_load %arg9[%get3A_184] {strides = array<i32>} : memref<2048xf32, #tpu.memory_space<vmem>>, vector<16xf32>,
    %add3A_186 = arith.addf %add3A_183, %get3A_185 : vector<16xf32>
    %get3A_187 = arith.constant 944 : index
    %get3A_188 = tpu.vector_load %arg9[%get3A_187] {strides = array<i32>} : memref<2048xf32, #tpu.memory_space<vmem>>, vector<16xf32>,
    %add3A_189 = arith.addf %add3A_186, %get3A_188 : vector<16xf32>
    %get3A_190 = arith.constant 1072 : index
    %get3A_191 = tpu.vector_load %arg9[%get3A_190] {strides = array<i32>} : memref<2048xf32, #tpu.memory_space<vmem>>, vector<16xf32>,
    %add3A_192 = arith.addf %add3A_189, %get3A_191 : vector<16xf32>
    %get3A_193 = arith.constant 1200 : index
    %get3A_194 = tpu.vector_load %arg9[%get3A_193] {strides = array<i32>} : memref<2048xf32, #tpu.memory_space<vmem>>, vector<16xf32>,
    %add3A_195 = arith.addf %add3A_192, %get3A_194 : vector<16xf32>
    %get3A_196 = arith.constant 1328 : index
    %get3A_197 = tpu.vector_load %arg9[%get3A_196] {strides = array<i32>} : memref<2048xf32, #tpu.memory_space<vmem>>, vector<16xf32>,
    %add3A_198 = arith.addf %add3A_195, %get3A_197 : vector<16xf32>
    %get3A_199 = arith.constant 1456 : index
    %get3A_200 = tpu.vector_load %arg9[%get3A_199] {strides = array<i32>} : memref<2048xf32, #tpu.memory_space<vmem>>, vector<16xf32>,
    %add3A_201 = arith.addf %add3A_198, %get3A_200 : vector<16xf32>
    %get3A_202 = arith.constant 1584 : index
    %get3A_203 = tpu.vector_load %arg9[%get3A_202] {strides = array<i32>} : memref<2048xf32, #tpu.memory_space<vmem>>, vector<16xf32>,
    %add3A_204 = arith.addf %add3A_201, %get3A_203 : vector<16xf32>
    %get3A_205 = arith.constant 1712 : index
    %get3A_206 = tpu.vector_load %arg9[%get3A_205] {strides = array<i32>} : memref<2048xf32, #tpu.memory_space<vmem>>, vector<16xf32>,
    %add3A_207 = arith.addf %add3A_204, %get3A_206 : vector<16xf32>
    %get3A_208 = arith.constant 1840 : index
    %get3A_209 = tpu.vector_load %arg9[%get3A_208] {strides = array<i32>} : memref<2048xf32, #tpu.memory_space<vmem>>, vector<16xf32>,
    %add3A_210 = arith.addf %add3A_207, %get3A_209 : vector<16xf32>
    %get3A_211 = arith.constant 1968 : index
    %get3A_212 = tpu.vector_load %arg9[%get3A_211] {strides = array<i32>} : memref<2048xf32, #tpu.memory_space<vmem>>, vector<16xf32>,
    %add3A_213 = arith.addf %add3A_210, %get3A_212 : vector<16xf32>
    %swap3A_214 = arith.constant 48 : index
    %swap3A_215 = tpu.vector_load %arg10[%swap3A_214] {strides = array<i32>} : memref<64xf32, #tpu.memory_space<vmem>>, vector<16xf32>,
    tpu.vector_store %arg10[%swap3A_214], %add3A_213 {strides = array<i32>} : memref<64xf32, #tpu.memory_space<vmem>>, vector<16xf32>,
    %mul3A_216 = arith.constant 64 : i32
    %mul3A_217 = arith.muli %add3A, %mul3A_216 : i32
    "tpu.region"() ({
      %run_scoped3A = tpu.sem_alloc : memref<!tpu.dma_semaphore, #tpu.memory_space<semaphore_mem>>
      %dma_start3A = tpu.memref_slice %arg5[%mul3A_217] : memref<2048xf32, #tpu.memory_space<hbm>> -> memref<64xf32, #tpu.memory_space<hbm>>
      %dma_start3A_218 = tpu.memref_slice %arg5[%mul3A_217] : memref<2048xf32, #tpu.memory_space<hbm>> -> memref<64xf32, #tpu.memory_space<hbm>>
      tpu.enqueue_dma source(%arg10 : memref<64xf32, #tpu.memory_space<vmem>>) target(%dma_start3A_218 : memref<64xf32, #tpu.memory_space<hbm>>) target_semaphore(%run_scoped3A : memref<!tpu.dma_semaphore, #tpu.memory_space<semaphore_mem>>)
      %dma_wait3A = tpu.memref_slice %arg5[%mul3A_217] : memref<2048xf32, #tpu.memory_space<hbm>> -> memref<64xf32, #tpu.memory_space<hbm>>
      %dma_wait3A_219 = tpu.memref_slice %arg5[%mul3A_217] : memref<2048xf32, #tpu.memory_space<hbm>> -> memref<64xf32, #tpu.memory_space<hbm>>
      tpu.wait_dma2 semaphore(%run_scoped3A : memref<!tpu.dma_semaphore, #tpu.memory_space<semaphore_mem>>) src(%arg10 : memref<64xf32, #tpu.memory_space<vmem>>) dst(%dma_wait3A_219 : memref<64xf32, #tpu.memory_space<hbm>>)
      tpu.yield
    }) : () -> ()
    return
  }
}

module attributes {stable_mosaic.version = 14 : i64} {
  func.func @_tc_table_body(%arg0: memref<128x64xf32, #tpu.memory_space<vmem>>, %arg1: memref<64x128xf32, #tpu.memory_space<vmem>>, %arg2: memref<1x128xf32, #tpu.memory_space<vmem>>, %arg3: memref<128x128xf32, #tpu.memory_space<vmem>>, %arg4: memref<1x128xf32, #tpu.memory_space<vmem>>, %arg5: memref<128x1xf32, #tpu.memory_space<vmem>>, %arg6: memref<1x1xf32, #tpu.memory_space<vmem>>, %arg7: memref<128x1xf32, #tpu.memory_space<vmem>>, %arg8: memref<1x1xf32, #tpu.memory_space<vmem>>) attributes {dimension_semantics = [], scalar_prefetch = 0 : i64, scratch_operands = 0 : i64, tpu.core_type = #tpu.core_type<tc>} {
    %get3A = arith.constant 0 : index
    %get3A_0 = arith.constant 0 : index
    %get3A_1 = vector.load %arg0[%get3A, %get3A_0] : memref<128x64xf32, #tpu.memory_space<vmem>>, vector<128x64xf32>
    %get3A_2 = arith.constant 0 : index
    %get3A_3 = arith.constant 0 : index
    %get3A_4 = vector.load %arg1[%get3A_2, %get3A_3] : memref<64x128xf32, #tpu.memory_space<vmem>>, vector<64x128xf32>
    %dot_general3A = arith.constant dense<0.000000e+00> : vector<128x128xf32>
    %dot_general3A_5 = tpu.matmul %get3A_1, %get3A_4, %dot_general3A {dimension_numbers = #tpu.dot_dimension_numbers<[1], [0], [0], [1], [0, 0, 1, 1], [], []>, transpose_lhs_hint = false} : vector<128x64xf32>, vector<64x128xf32>, vector<128x128xf32> -> vector<128x128xf32>
    %get3A_6 = arith.constant 0 : index
    %get3A_7 = arith.constant 0 : index
    %get3A_8 = vector.load %arg2[%get3A_6, %get3A_7] : memref<1x128xf32, #tpu.memory_space<vmem>>, vector<1x128xf32>
    %add3A = vector.broadcast %get3A_8 : vector<1x128xf32> to vector<128x128xf32>
    %add3A_9 = arith.addf %dot_general3A_5, %add3A : vector<128x128xf32>
    %logistic3A = arith.negf %add3A_9 : vector<128x128xf32>
    %logistic3A_10 = math.exp %logistic3A : vector<128x128xf32>
    %logistic3A_11 = arith.constant 1.000000e+00 : f32
    %logistic3A_12 = vector.broadcast %logistic3A_11 : f32 to vector<128x128xf32>
    %logistic3A_13 = arith.addf %logistic3A_12, %logistic3A_10 : vector<128x128xf32>
    %logistic3A_14 = arith.divf %logistic3A_12, %logistic3A_13 : vector<128x128xf32>
    %mul3A = arith.mulf %add3A_9, %logistic3A_14 : vector<128x128xf32>
    %get3A_15 = arith.constant 0 : index
    %get3A_16 = arith.constant 0 : index
    %get3A_17 = vector.load %arg3[%get3A_15, %get3A_16] : memref<128x128xf32, #tpu.memory_space<vmem>>, vector<128x128xf32>
    %dot_general3A_18 = arith.constant dense<0.000000e+00> : vector<128x128xf32>
    %dot_general3A_19 = tpu.matmul %mul3A, %get3A_17, %dot_general3A_18 {dimension_numbers = #tpu.dot_dimension_numbers<[1], [0], [0], [1], [0, 0, 1, 1], [], []>, transpose_lhs_hint = false} : vector<128x128xf32>, vector<128x128xf32>, vector<128x128xf32> -> vector<128x128xf32>
    %get3A_20 = arith.constant 0 : index
    %get3A_21 = arith.constant 0 : index
    %get3A_22 = vector.load %arg4[%get3A_20, %get3A_21] : memref<1x128xf32, #tpu.memory_space<vmem>>, vector<1x128xf32>
    %add3A_23 = vector.broadcast %get3A_22 : vector<1x128xf32> to vector<128x128xf32>
    %add3A_24 = arith.addf %dot_general3A_19, %add3A_23 : vector<128x128xf32>
    %logistic3A_25 = arith.negf %add3A_24 : vector<128x128xf32>
    %logistic3A_26 = math.exp %logistic3A_25 : vector<128x128xf32>
    %logistic3A_27 = arith.constant 1.000000e+00 : f32
    %logistic3A_28 = vector.broadcast %logistic3A_27 : f32 to vector<128x128xf32>
    %logistic3A_29 = arith.addf %logistic3A_28, %logistic3A_26 : vector<128x128xf32>
    %logistic3A_30 = arith.divf %logistic3A_28, %logistic3A_29 : vector<128x128xf32>
    %mul3A_31 = arith.mulf %add3A_24, %logistic3A_30 : vector<128x128xf32>
    %get3A_32 = arith.constant 0 : index
    %get3A_33 = arith.constant 0 : index
    %get3A_34 = vector.load %arg5[%get3A_32, %get3A_33] : memref<128x1xf32, #tpu.memory_space<vmem>>, vector<128x1xf32>
    %dot_general3A_35 = arith.constant dense<0.000000e+00> : vector<128x1xf32>
    %dot_general3A_36 = tpu.matmul %mul3A_31, %get3A_34, %dot_general3A_35 {dimension_numbers = #tpu.dot_dimension_numbers<[1], [0], [0], [1], [0, 0, 1, 1], [], []>, transpose_lhs_hint = false} : vector<128x128xf32>, vector<128x1xf32>, vector<128x1xf32> -> vector<128x1xf32>
    %get3A_37 = arith.constant 0 : index
    %get3A_38 = arith.constant 0 : index
    %get3A_39 = vector.load %arg6[%get3A_37, %get3A_38] : memref<1x1xf32, #tpu.memory_space<vmem>>, vector<1x1xf32>
    %add3A_40 = vector.broadcast %get3A_39 : vector<1x1xf32> to vector<128x1xf32>
    %add3A_41 = arith.addf %dot_general3A_36, %add3A_40 : vector<128x1xf32>
    %swap3A = arith.constant 0 : index
    %swap3A_42 = arith.constant 0 : index
    %swap3A_43 = vector.load %arg7[%swap3A, %swap3A_42] : memref<128x1xf32, #tpu.memory_space<vmem>>, vector<128x1xf32>
    tpu.vector_store %arg7[%swap3A, %swap3A_42], %add3A_41 {strides = array<i32>} : memref<128x1xf32, #tpu.memory_space<vmem>>, vector<128x1xf32>,
    %broadcast_in_dim3A = arith.constant 0.000000e+00 : f32
    %broadcast_in_dim3A_44 = vector.broadcast %broadcast_in_dim3A : f32 to vector<1x1xf32>
    %swap3A_45 = arith.constant 0 : index
    %swap3A_46 = arith.constant 0 : index
    %swap3A_47 = vector.load %arg8[%swap3A_45, %swap3A_46] : memref<1x1xf32, #tpu.memory_space<vmem>>, vector<1x1xf32>
    tpu.vector_store %arg8[%swap3A_45, %swap3A_46], %broadcast_in_dim3A_44 {strides = array<i32>} : memref<1x1xf32, #tpu.memory_space<vmem>>, vector<1x1xf32>,
    return
  }
}

module attributes {stable_mosaic.version = 14 : i64} {
  func.func @_tc_reduce_body(%arg0: memref<16x128xf32, #tpu.memory_space<vmem>>, %arg1: memref<1x64xf32, #tpu.memory_space<vmem>>) attributes {dimension_semantics = [], scalar_prefetch = 0 : i64, scratch_operands = 0 : i64, tpu.core_type = #tpu.core_type<tc>} {
    %get3A = arith.constant 0 : index
    %get3A_0 = arith.constant 0 : index
    %get3A_1 = vector.load %arg0[%get3A, %get3A_0] : memref<16x128xf32, #tpu.memory_space<vmem>>, vector<16x128xf32>
    %reduce_sum3A = arith.constant dense<0.000000e+00> : vector<128xf32>
    %reduce_sum3A_2 = vector.multi_reduction <add>, %get3A_1, %reduce_sum3A [0] : vector<16x128xf32> to vector<128xf32>
    %broadcast_in_dim3A = vector.shape_cast %reduce_sum3A_2 : vector<128xf32> to vector<1x128xf32>
    %slice3A = vector.extract_strided_slice %broadcast_in_dim3A {offsets = [0, 0], sizes = [1, 64], strides = [1, 1]} : vector<1x128xf32> to vector<1x64xf32>
    %slice3A_3 = vector.extract_strided_slice %broadcast_in_dim3A {offsets = [0, 64], sizes = [1, 64], strides = [1, 1]} : vector<1x128xf32> to vector<1x64xf32>
    %add3A = arith.addf %slice3A, %slice3A_3 : vector<1x64xf32>
    %swap3A = arith.constant 0 : index
    %swap3A_4 = arith.constant 0 : index
    %swap3A_5 = vector.load %arg1[%swap3A, %swap3A_4] : memref<1x64xf32, #tpu.memory_space<vmem>>, vector<1x64xf32>
    tpu.vector_store %arg1[%swap3A, %swap3A_4], %add3A {strides = array<i32>} : memref<1x64xf32, #tpu.memory_space<vmem>>, vector<1x64xf32>,
    return
  }
}

</mosaic_0001>

<sc_bundles>
// kernel: kernel.5.cloned.1.call-start
scs
__scs_entry_jumppad:
0x0: {  	(pc) =	sbr.rel $0x88, $3  }
0x1: {  	(tag) =	ssettag $0x0;
	lr =	simm.s32 $0x1  }
0x2: {  	[smem:$0x3F98] =	sst lr;
	_ =	strace $0xD0000000  }
0x3: {  	_ = 	snop  }
0x4: {  	_ = 	snop  }
0x5: {  	_ = 	snop  }
0x6: {  	_ = 	snop  }
0x7: {  	_ = 	snop  }
__scs_overlays_trampoline_lowered:
0x8: {  	[smem:$0x3FA7] =	sst s0  }
0x9: {  	[smem:$0x3FA8] =	sst s1  }
0xa: {  	[smem:$0x3FA9] =	sst s2  }
0xb: {  	[smem:$0x3FAA] =	sst s3  }
0xc: {  	[smem:$0x3FAB] =	sst s4  }
0xd: {  	[smem:$0x3FAC] =	sst s5  }
0xe: {  	[smem:$0x3FAD] =	sst s6  }
0xf: {  	[smem:$0x3FAE] =	sst s7  }
0x10: {  	[smem:$0x3FAF] =	sst s8  }
0x11: {  	[smem:$0x3FB0] =	sst s9;
	s0 =	simm.s32 @!p0 $0x0  }
0x12: {  	s1 =	sld [smem:$0x3F96];
	s0 =	simm.s32 @p0 $0x1  }
0x13: {  	[smem:$0x3FB1] =	sst s0;
	s0 =	simm.s32 @!p1 $0x0  }
0x14: {  	s2 =	sld [smem:$0x3F95];
	s0 =	simm.s32 @p1 $0x1  }
0x15: {  	[smem:$0x3FB2] =	sst s0;
	s0 =	simm.s32 @!p2 $0x0  }
0x16: {  	s3 =	sld [smem:$0x3FDB];
	s0 =	simm.s32 @p2 $0x1  }
0x17: {  	s4 =	simm.s32 $0x1BF5;
	[smem:$0x3FB4] =	sst s0  }
0x18: {  	s0 =	sld [smem:$0x3F97];
	_ =	swait.ge [sflag:s4], $0x0  }
0x19: {  	s7 =	sld [smem:$0x3F98]  }
0x1a: {  	s8 =	sadd.s32 $0xFFFFE003, lr  }
0x1b: {  	s9 =	sadd.s32 $0xFFFFFEF7, lr;
	s5 =	simm.s32 $0xFFFFFFFF;
	p2 =	slt.u32 s8, $0xFFFFF086  }
0x1c: {  	p1 =	slt.u32 s9, $0xF7A;
	s5 =	simm.s32 @!p2 $0x0  }
0x1d: {  	s5 =	simm.s32 @p1 $0x1;
	p0 =	seq.s32 s7, s2  }
0x1e: {  	s7 =	smul.u32 @!p0 $0xF7A, s2;
	p2 =	seq.s32 @!p0 s5, $0x0  }
0x1f: {  	s9 =	smul.u32 $0xF7A, s1;
	s8 =	simm.s32 @!p0 $0x1BF5;
	p2 =	por !p2, p0  }
0x20: {  	[sflag:s8] =	ssyncset.s32 @!p0 $0xFFFFF086;
	s6 =	sadd.s32 @!p0 s3, s7;
	s7 =	simm.s32 @!p0 $0x108  }
0x21: {  	s3 =	sadd.s32 s3, s9;
	s6 =	sadd.s32 @!p0 $0x88, s6;
	s7 =	simm.s32 @p2 $0x1082  }
0x22: {  	[simem:s7], [sflag:s8] =	dma.local @!p0 [hbm:s6], $0xF7A  }
0x23: {  	s9 =	sor.u32 $0xD0000000, s2;
	s6 =	simm.s32 $0x108;
	_ =	swait.ge @!p0 [sflag:s8], $0x0  }
0x24: {  	s3 =	sadd.s32 $0x88, s3;
	s6 =	simm.s32 @!p1 $0x1082;
	[sflag:s4] =	ssyncset.s32 $0xFFFFF086  }
0x25: {  	[simem:s6], [sflag:s4] =	dma.local [hbm:s3], $0xF7A  }
0x26: {  	[smem:$0x3F98] =	sst s1;
	(tag) =	ssettag s2;
	_ =	strace s9  }
0x27: {  	s1 =	sld [smem:$0x3FA8]  }
0x28: {  	s2 =	sld [smem:$0x3FA9]  }
0x29: {  	s4 =	sld [smem:$0x3FAB]  }
0x2a: {  	p0 =	seq.s32 s5, $0x0;
	s5 =	sld [smem:$0x3FAC]  }
0x2b: {  	s6 =	sld [smem:$0x3FAD]  }
0x2c: {  	s7 =	sld [smem:$0x3FAE]  }
0x2d: {  	s3 =	simm.s32 $0x108;
	s8 =	sld [smem:$0x3FAF]  }
0x2e: {  	s3 =	simm.s32 @!p0 $0x1082;
	s9 =	sld [smem:$0x3FB0]  }
0x2f: {  	lr =	sadd.s32 s0, s3;
	s0 =	sld [smem:$0x3FA7]  }
0x30: {  	s3 =	sld [smem:$0x3FAA]  }
0x31: {  	[smem:$0x3FB3] =	sst s10  }
0x32: {  	s10 =	sld [smem:$0x3FB1];
	_ =	sdelay $0x3  }
0x33: {  	p0 =	seq.s32 s10, $0x1;
	s10 =	sld [smem:$0x3FB3];
	_ =	sdelay $0x3  }
0x34: {  	[smem:$0x3FB3] =	sst s10  }
0x35: {  	s10 =	sld [smem:$0x3FB2];
	_ =	sdelay $0x3  }
0x36: {  	p1 =	seq.s32 s10, $0x1;
	s10 =	sld [smem:$0x3FB3];
	_ =	sdelay $0x3  }
0x37: {  	[smem:$0x3FB3] =	sst s10  }
0x38: {  	s10 =	sld [smem:$0x3FB4]  }
0x39: {  	_ = 	snop;
	(pc) =	sbr.ind lr, $3  }
0x3a: {  	_ = 	snop  }
0x3b: {  	_ = 	snop  }
0x3c: {  	p2 =	seq.s32 s10, $0x1;
	s10 =	sld [smem:$0x3FB3]  }
0x3d: {  	_ =	shalt  }
0x3e: {  	_ =	shalt  }
0x3f: {  	_ =	shalt  }
0x40: {  	_ =	shalt  }
0x41: {  	_ =	shalt  }
0x42: {  	_ =	shalt  }
0x43: {  	_ =	shalt  }
0x44: {  	_ =	shalt  }
0x45: {  	_ =	shalt  }
0x46: {  	_ =	shalt  }
0x47: {  	_ =	shalt  }
0x48: {  	_ =	shalt  }
0x49: {  	_ =	shalt  }
0x4a: {  	_ =	shalt  }
0x4b: {  	_ =	shalt  }
0x4c: {  	_ =	shalt  }
0x4d: {  	_ =	shalt  }
0x4e: {  	_ =	shalt  }
0x4f: {  	_ =	shalt  }
0x50: {  	_ =	shalt  }
0x51: {  	_ =	shalt  }
0x52: {  	_ =	shalt  }
0x53: {  	_ =	shalt  }
0x54: {  	_ =	shalt  }
0x55: {  	_ =	shalt  }
0x56: {  	_ =	shalt  }
0x57: {  	_ =	shalt  }
0x58: {  	_ =	shalt  }
0x59: {  	_ =	shalt  }
0x5a: {  	_ =	shalt  }
0x5b: {  	_ =	shalt  }
0x5c: {  	_ =	shalt  }
0x5d: {  	_ =	shalt  }
0x5e: {  	_ =	shalt  }
0x5f: {  	_ =	shalt  }
0x60: {  	_ =	shalt  }
0x61: {  	_ =	shalt  }
0x62: {  	_ =	shalt  }
0x63: {  	_ =	shalt  }
0x64: {  	_ =	shalt  }
0x65: {  	_ =	shalt  }
0x66: {  	_ =	shalt  }
0x67: {  	_ =	shalt  }
0x68: {  	_ =	shalt  }
0x69: {  	_ =	shalt  }
0x6a: {  	_ =	shalt  }
0x6b: {  	_ =	shalt  }
0x6c: {  	_ =	shalt  }
0x6d: {  	_ =	shalt  }
0x6e: {  	_ =	shalt  }
0x6f: {  	_ =	shalt  }
0x70: {  	_ =	shalt  }
0x71: {  	_ =	shalt  }
0x72: {  	_ =	shalt  }
0x73: {  	_ =	shalt  }
0x74: {  	_ =	shalt  }
0x75: {  	_ =	shalt  }
0x76: {  	_ =	shalt  }
0x77: {  	_ =	shalt  }
0x78: {  	_ =	shalt  }
0x79: {  	_ =	shalt  }
0x7a: {  	_ =	shalt  }
0x7b: {  	_ =	shalt  }
0x7c: {  	_ =	shalt  }
0x7d: {  	_ =	shalt  }
0x7e: {  	_ =	shalt  }
0x7f: {  	_ =	shalt  }
0x80: {  	_ =	shalt  }
0x81: {  	_ =	shalt  }
0x82: {  	_ =	shalt  }
0x83: {  	_ =	shalt  }
0x84: {  	_ =	shalt  }
0x85: {  	_ =	shalt  }
0x86: {  	_ =	shalt  }
0x87: {  	_ =	shalt  }
.Lfunc_end0:
.L_simem_size_0:
called_computation_lowered:
.L_overlay_start_0:
0x88: {  	s2 =	sld [smem:$0x3FD9]  }
0x89: {  	s3 =	sld [smem:$0x3FFE];
	_ =	sdelay $0x1  }
0x8a: {  	s1 =	srdreg.scid  }
0x8b: {  	s0 =	sand.u32 $0x1, s1  }
0x8c: {  	s14 =	sshll.u32 s0, $0xA;
	s2 =	sadd.s32 s3, s2  }
0x8d: {  	s2 =	sadd.s32 s2, s14  }
0x8e: {  	[smem:$0x3FBF] =	sst s2  }
0x8f: {  	_ = 	snop  }
0x90: {  	s2 =	sld [smem:$0x3FD0];
	_ =	sdelay $0x2  }
0x91: {  	s15 =	simm.s32 $0xA;
	s4 =	simm.s32 $0x10  }
0x92: {  	[smem:s4], [sflag:s15] =	dma.local [hbm:s2], $0x1  }
0x93: {  	_ =	swait.eq [sflag:s15], $0x1  }
0x94: {  	[sflag:s15] =	ssyncset.done $0x0  }
0x95: {  	s16 =	sld [smem:$0x10];
	[sflag:s15] =	ssyncadd.s32 $0xFFFFFFFF  }
0x96: {  	s17 =	sld [smem:$0x11];
	(tm) =	ssettm $0x1  }
0x97: {  	s18 =	sld [smem:$0x3FFB];
	_ =	sdelay $0x3  }
0x98: {  	_ =	strace s18  }
0x99: {  	s4 =	sld [smem:$0x3FFC];
	_ =	sdelay $0x3  }
0x9a: {  	_ =	strace s4  }
0x9b: {  	s4 =	sld [smem:$0x3FFD];
	_ =	sdelay $0x3  }
0x9c: {  	_ =	strace s4  }
0x9d: {  	_ =	strace $0x8FFFFFFF  }
0x9e: {  	s19 =	sld [smem:$0x3FDB];
	_ =	sdelay $0x1  }
0x9f: {  	s5 =	simm.s32 $_scs_section_size  }
0xa0: {  	s6 =	simm.s32 $_size__tile_overlayer_lowered;
	s7 =	simm.s32 $_tile_overlayer_lowered  }
0xa1: {  	s22 =	simm.s32 $0x1BFF;
	s21 =	sshll.u32 s7, $0x1;
	s4 =	sadd.s32 s5, s19  }
0xa2: {  	s8 =	simm.s32 $0x0;
	s20 =	sshll.u32 s6, $0x1;
	s6 =	sadd.s32 s21, s4  }
0xa3: {  	[timem:s8], [sflag:s22] =	dma.local [hbm:s6], s20  }
0xa4: {  	_ =	swait.ge [sflag:s22], s20  }
0xa5: {  	s5 =	ssub.s32 $0x0, s20;
	[sflag:s22] =	ssyncset.done $0x0  }
0xa6: {  	[sflag:s22] =	ssyncadd.s32 s5;
	_ =	sdelay $0x1  }
0xa7: {  	s23 =	simm.s32 $0x1B8B  }
0xa8: {  	_ =	swait.ge [sflag:s23], $0x1  }
0xa9: {  	[sflag:s23] =	ssyncset.done $0x0  }
0xaa: {  	s25 =	simm.s32 $0x1B8E;
	s24 =	sld [smem:$0x3FFE];
	[sflag:s23] =	ssyncadd.s32 $0xFFFFFFFF  }
0xab: {  	s26 =	simm.s32 $execute0_lowered;
	[smem:$0x3FD2] =	sst s25  }
0xac: {  	s6 =	sshll.u32 s26, $0x1;
	_ =	strace $0x80000046;
	[dreg:$0x1] =	wrdreg $0xFFFFFFFF  }
0xad: {  	s28 =	simm.s32 $_size_execute0_lowered;
	s4 =	sadd.s32 s4, s6;
	[dreg:$0x0] =	wrdreg $0x0  }
0xae: {  	s6 =	sshll.u32 s28, $0x1;
	[dreg:$0x2] =	wrdreg s4  }
0xaf: {  	[dreg:$0x3] =	wrdreg s6  }
0xb0: {  	[dreg:$0x4] =	wrdreg $0xC0  }
0xb1: {  	_ =	task [dreg:s8], $0x5FFFF  }
0xb2: {  	[dreg:$0x1] =	wrdreg $0xFFFFFFFF  }
0xb3: {  	[dreg:$0x0] =	wrdreg $0x60  }
0xb4: {  	[dreg:$0x2] =	wrdreg s16  }
0xb5: {  	[dreg:$0x3] =	wrdreg s17  }
0xb6: {  	[dreg:$0x4] =	wrdreg s24  }
0xb7: {  	[dreg:$0x5] =	wrdreg $0x9  }
0xb8: {  	_ =	task.clear_ibuf [dreg:s8], $0x6FFFF;
	_ =	strace $0x90000046  }
0xb9: {  	s29 =	simm.s32 $0x9;
	_ =	strace $0x80000048  }
0xba: {  	_ =	swait.ge [sflag:s29], $0x1  }
0xbb: {  	[sflag:s29] =	ssyncadd.s32 $0xFFFFFFFF  }
0xbc: {  	_ =	strace $0x90000048  }
0xbd: {  	_ =	sfence  }
0xbe: {  	s30 =	sld [smem:$0x0];
	_ =	sdelay $0x2  }
0xbf: {  	s31 =	sshll.u32 s1, $0xD;
	s1 =	sshrl.u32 s1, $0x2  }
0xc0: {  	s3 =	sand.u32 $0x4000, s31;
	s1 =	sadd.s32 s1, s30  }
0xc1: {  	s0 =	sor.u32 s3, s0;
	s1 =	sshll.u32 s1, $0x11  }
0xc2: {  	s0 =	sor.u32 s1, s0  }
0xc3: {  	s0 =	sadd.s32 $0x8F2B, s0  }
0xc4: {  	[sflag:s0] =	ssyncadd.remote.s32 $0x1  }
0xc5: {  	_ =	sfence.sel $0xFFFF  }
0xc6: {  	[dreg:$0x0] =	wrdreg $0xFFFFFFFF;
	(pc) =	sbr.abs _section_cstart, $3  }
0xc7: {  	[dreg:$0x1] =	wrdreg $0xFFFFFFFF  }
0xc8: {  	_ =	task.clear_ibuf [dreg:s8], $0x2FFFF;
	_ =	strace $0x9FFFFFFF  }
0xc9: {  	(tm) =	ssettm $0x7FFFFFFF  }
tec
execute0_lowered:
.L_overlay_start_1:
0x0: {  	(tag) =	ssettag $0x1  }
0x1: {  	s1 =	rddreg [dreg:$0x0]  }
0x2: {  	s4 =	rddreg [dreg:$0x1];
	s2 =	srdreg.scid  }
0x3: {  	s0 =	stileid.u32;
	s5 =	rddreg [dreg:$0x2]  }
0x4: {  	s3 =	simm.s32 $0x0;
	s11 =	simm.s32 $0x1980;
	s12 =	simm.s32 $0x2180  }
0x5: {  	s6 =	sand.u32 $0x1, s2;
	s7 =	sshll.u32 s0, $0x1;
	s2 =	rddreg [dreg:$0x3]  }
0x6: {  	s13 =	simm.s32 $0x0;
	[smem:$0x7FF] =	sst s3;
	s7 =	sor.u32 s6, s7  }
0x7: {  	s6 =	ssub.s32 $0x2, s6;
	s8 =	smul.u32 $0x188, s7;
	s7 =	sshll.u32 s7, $0x3  }
0x8: {  	_ =	strace $0x80000047;
	s10 =	sshrl.u32 s6, $0x1;
	s7 =	sadd.s32 s7, s5  }
0x9: {  	s10 =	ssub.s32 s6, s10;
	s9 =	sadd.s32 s8, s5;
	s4 =	sadd.s32 s4, s8  }
0xa: {  	v1 =	vlaneseq.u32;
	s6 =	sadd.s32 $0x4000, s7;
	s7 =	smax.u32 s10, $0x1;
	s8 =	simm.s32 $0x1  }
0xb: {  	v0 =	vimm.f32 $0.0e+00;
	v1 =	vmul.u32 $0x80, v1;
	s10 =	simm.s32 $0xD00;
	s5 =	sadd.s32 $0xE00, s9;
	s9 =	simm.s32 $0x80  }
.LBB2_1:
0xc: {  	[tilespmem:s3], [sflag:$0x1] =	stream.linear.gather [hbm4b:s1+s3], $0x80, $0x38;
	[tilespmem:$0x2200] =	vst v63  }
0xd: {  	_ =	swait.ge [sflag:s8], $0x80  }
0xe: {  	[sflag:s8] =	ssyncset.done $0x0  }
0xf: {  	[sflag:s8] =	ssyncadd.s32 $0xFFFFFF80  }
0x10: {  	[tilespmem:s9], [sflag:$0x1] =	stream.linear.gather [hbm4b:s4+s3], $0xC40, $0x38;
	[tilespmem:$0x2200] =	vst v63  }
0x11: {  	_ =	swait.ge [sflag:s8], $0xC40  }
0x12: {  	[sflag:s8] =	ssyncset.done $0x0  }
0x13: {  	[sflag:s8] =	ssyncadd.s32 $0xFFFFF3C0  }
0x14: {  	[tilespmem:s10], [sflag:$0x1] =	stream.linear.gather [hbm4b:s5+s3], $0xC40, $0x38;
	[tilespmem:$0x2200] =	vst v63  }
0x15: {  	_ =	swait.ge [sflag:s8], $0xC40  }
0x16: {  	[sflag:s8] =	ssyncset.done $0x0  }
0x17: {  	s14 =	simm.s32 $0x0;
	[sflag:s8] =	ssyncadd.s32 $0xFFFFF3C0  }
.LBB2_2:
0x18: {  	p0 =	sne.s32 s14, $0x1FC0  }
.Ltmp0:
0x19: {  	_ = 	snop;
	(pc) =	sbr.rel @p0 .LBB2_2-.Ltmp0, $3  }
0x1a: {  	_ =	sdelay $0x1  }
0x1b: {  	s15 =	sshra.s32 s14, $0x2  }
0x1c: {  	s14 =	sadd.s32 $0x40, s14;
	[tilespmem:s15+$0x1980] =	vst v0  }
0x1d: {  	s15 =	simm.s32 $0x0;
	s14 =	simm.s32 $0x40  }
.LBB2_4:
0x1e: {  	p0 =	sne.s32 s14, $0x30C0;
	v2 =	vld [tilespmem:s15+$0x80];
	_ =	sdelay $0x3  }
0x1f: {  	v3 =	vld [tilespmem:s15+$0xD00];
	_ =	sdelay $0x3  }
0x20: {  	v2 =	vld.idx.msk [tilespmem:v2+s3+$0x0], $0xffff  }
0x21: {  	v3 =	vadd.s32 v1, v3  }
.Ltmp1:
0x22: {  	(pc) =	sbr.rel @p0 .LBB2_4-.Ltmp1, $2  }
0x23: {  	_ =	sdelay $0x2  }
0x24: {  	s15 =	sshra.s32 s14, $0x2;
	s14 =	sadd.s32 $0x40, s14;
	[tilespmem:v3+s11+$0x0] =	vst.idx.add.f32.msk $0xffff, v2  }
0x25: {  	v2 =	vld [tilespmem:s15+$0x80];
	_ =	sdelay $0x2  }
0x26: {  	v3 =	vld [tilespmem:s15+$0xD00];
	_ =	sdelay $0x4  }
0x27: {  	v3 =	vadd.s32 v1, v3;
	v2 =	vld.idx.msk [tilespmem:v2+s3+$0x0], $0xffff;
	_ =	sdelay $0x4  }
0x28: {  	[tilespmem:v3+s11+$0x0] =	vst.idx.add.f32.msk $0xffff, v2  }
0x29: {  	v2 =	vld [tilespmem:$0x1980]  }
0x2a: {  	v3 =	vld [tilespmem:$0x1A00]  }
0x2b: {  	v4 =	vld [tilespmem:$0x1A80]  }
0x2c: {  	v5 =	vld [tilespmem:$0x1B00]  }
0x2d: {  	v6 =	vld [tilespmem:$0x1B80]  }
0x2e: {  	v7 =	vld [tilespmem:$0x1C00]  }
0x2f: {  	v8 =	vld [tilespmem:$0x1C80]  }
0x30: {  	v9 =	vld [tilespmem:$0x1D00]  }
0x31: {  	v10 =	vld [tilespmem:$0x1D80]  }
0x32: {  	v11 =	vld [tilespmem:$0x1E00]  }
0x33: {  	v12 =	vld [tilespmem:$0x1E80]  }
0x34: {  	v13 =	vld [tilespmem:$0x1F00]  }
0x35: {  	v14 =	vld [tilespmem:$0x1F80]  }
0x36: {  	v15 =	vld [tilespmem:$0x2000]  }
0x37: {  	v16 =	vld [tilespmem:$0x2080]  }
0x38: {  	v17 =	vld [tilespmem:$0x2100]  }
0x39: {  	v18 =	vld [tilespmem:$0x1990]  }
0x3a: {  	v19 =	vld [tilespmem:$0x1A10]  }
0x3b: {  	v20 =	vld [tilespmem:$0x1A90]  }
0x3c: {  	v21 =	vld [tilespmem:$0x1B10]  }
0x3d: {  	v22 =	vld [tilespmem:$0x1B90]  }
0x3e: {  	v23 =	vld [tilespmem:$0x1C10]  }
0x3f: {  	v24 =	vld [tilespmem:$0x1C90]  }
0x40: {  	v25 =	vld [tilespmem:$0x1D10]  }
0x41: {  	v26 =	vld [tilespmem:$0x1D90]  }
0x42: {  	v27 =	vld [tilespmem:$0x1E10]  }
0x43: {  	v28 =	vld [tilespmem:$0x1E90]  }
0x44: {  	v29 =	vld [tilespmem:$0x1F10]  }
0x45: {  	v30 =	vld [tilespmem:$0x1F90]  }
0x46: {  	v31 =	vld [tilespmem:$0x2010]  }
0x47: {  	v32 =	vld [tilespmem:$0x2090]  }
0x48: {  	v33 =	vld [tilespmem:$0x2110]  }
0x49: {  	v34 =	vld [tilespmem:$0x19A0]  }
0x4a: {  	v35 =	vld [tilespmem:$0x19B0]  }
0x4b: {  	v36 =	vld [tilespmem:$0x1A20]  }
0x4c: {  	v37 =	vld [tilespmem:$0x1A30];
	v2 =	vadd.f32 $0.0e+00, v2  }
0x4d: {  	v38 =	vld [tilespmem:$0x1AA0];
	v18 =	vadd.f32 $0.0e+00, v18  }
0x4e: {  	v61 =	vld [tilespmem:$0x1AB0];
	v2 =	vadd.f32 v3, v2;
	v3 =	vadd.f32 $0.0e+00, v34  }
0x4f: {  	v62 =	vld [tilespmem:$0x1B20];
	v35 =	vadd.f32 $0.0e+00, v35;
	v18 =	vadd.f32 v19, v18  }
0x50: {  	v63 =	vld [tilespmem:$0x1B30];
	v2 =	vadd.f32 v4, v2;
	v3 =	vadd.f32 v36, v3  }
0x51: {  	v18 =	vadd.f32 v20, v18;
	v36 =	vadd.f32 v37, v35;
	v37 =	vld [tilespmem:$0x1BA0]  }
0x52: {  	v39 =	vld [tilespmem:$0x1BB0];
	v2 =	vadd.f32 v5, v2;
	v3 =	vadd.f32 v38, v3  }
0x53: {  	v40 =	vld [tilespmem:$0x1C20];
	v18 =	vadd.f32 v21, v18;
	v20 =	vadd.f32 v61, v36  }
0x54: {  	v41 =	vld [tilespmem:$0x1C30];
	v2 =	vadd.f32 v6, v2;
	v3 =	vadd.f32 v62, v3  }
0x55: {  	v42 =	vld [tilespmem:$0x1CA0];
	v18 =	vadd.f32 v22, v18;
	v4 =	vadd.f32 v63, v20  }
0x56: {  	v43 =	vld [tilespmem:$0x1CB0];
	v2 =	vadd.f32 v7, v2;
	v3 =	vadd.f32 v37, v3  }
0x57: {  	v44 =	vld [tilespmem:$0x1D20];
	v18 =	vadd.f32 v23, v18;
	v4 =	vadd.f32 v39, v4  }
0x58: {  	v45 =	vld [tilespmem:$0x1D30];
	v2 =	vadd.f32 v8, v2;
	v3 =	vadd.f32 v40, v3  }
0x59: {  	v46 =	vld [tilespmem:$0x1DA0];
	v18 =	vadd.f32 v24, v18;
	v4 =	vadd.f32 v41, v4  }
0x5a: {  	v47 =	vld [tilespmem:$0x1DB0];
	v2 =	vadd.f32 v9, v2;
	v3 =	vadd.f32 v42, v3  }
0x5b: {  	v48 =	vld [tilespmem:$0x1E20];
	v18 =	vadd.f32 v25, v18;
	v4 =	vadd.f32 v43, v4  }
0x5c: {  	v49 =	vld [tilespmem:$0x1E30];
	v2 =	vadd.f32 v10, v2;
	v3 =	vadd.f32 v44, v3  }
0x5d: {  	v51 =	vld [tilespmem:$0x1EA0];
	v50 =	vadd.f32 v26, v18;
	v4 =	vadd.f32 v45, v4  }
0x5e: {  	v52 =	vld [tilespmem:$0x1EB0];
	v2 =	vadd.f32 v11, v2;
	v3 =	vadd.f32 v46, v3  }
0x5f: {  	v53 =	vld [tilespmem:$0x1F20];
	v10 =	vadd.f32 v27, v50;
	v4 =	vadd.f32 v47, v4  }
0x60: {  	v54 =	vld [tilespmem:$0x1F30];
	v2 =	vadd.f32 v12, v2;
	v3 =	vadd.f32 v48, v3  }
0x61: {  	v55 =	vld [tilespmem:$0x1FA0];
	v10 =	vadd.f32 v28, v10;
	v4 =	vadd.f32 v49, v4  }
0x62: {  	v56 =	vld [tilespmem:$0x1FB0];
	v2 =	vadd.f32 v13, v2;
	v3 =	vadd.f32 v51, v3  }
0x63: {  	v57 =	vld [tilespmem:$0x2020];
	v10 =	vadd.f32 v29, v10;
	v4 =	vadd.f32 v52, v4  }
0x64: {  	v58 =	vld [tilespmem:$0x2030];
	v2 =	vadd.f32 v14, v2;
	v3 =	vadd.f32 v53, v3  }
0x65: {  	v59 =	vld [tilespmem:$0x20A0];
	v10 =	vadd.f32 v30, v10;
	v4 =	vadd.f32 v54, v4  }
0x66: {  	v60 =	vld [tilespmem:$0x20B0];
	v2 =	vadd.f32 v15, v2;
	v3 =	vadd.f32 v55, v3  }
0x67: {  	v61 =	vld [tilespmem:$0x2120];
	v10 =	vadd.f32 v31, v10;
	v4 =	vadd.f32 v56, v4  }
0x68: {  	v62 =	vld [tilespmem:$0x2130];
	v2 =	vadd.f32 v16, v2;
	v3 =	vadd.f32 v57, v3  }
0x69: {  	v10 =	vadd.f32 v32, v10;
	v4 =	vadd.f32 v58, v4  }
0x6a: {  	v2 =	vadd.f32 v17, v2;
	v3 =	vadd.f32 v59, v3  }
0x6b: {  	v63 =	vadd.f32 v33, v10;
	v4 =	vadd.f32 v60, v4  }
0x6c: {  	[tilespmem:$0x2180] =	vst v2;
	v2 =	vadd.f32 v61, v3  }
0x6d: {  	s13 =	sadd.s32 $0x1, s13;
	[tilespmem:$0x2190] =	vst v63;
	v3 =	vadd.f32 v62, v4  }
0x6e: {  	p0 =	sne.s32 s13, s7;
	[tilespmem:$0x21A0] =	vst v2  }
.Ltmp2:
0x6f: {  	[tilespmem:$0x21B0] =	vst v3;
	(pc) =	sbr.rel @p0 .LBB2_1-.Ltmp2, $4  }
0x70: {  	[hbm4b:s6+s3] =	stream.linear.scatter [tilespmem:s12], [sflag:$0x1], $0x40, $0x38;
	[tilespmem:$0x2200] =	vst v63  }
0x71: {  	_ =	swait.ge [sflag:s8], $0x40  }
0x72: {  	[sflag:s8] =	ssyncset.done $0x0  }
0x73: {  	[sflag:s8] =	ssyncadd.s32 $0xFFFFFFC0  }
0x74: {  	_ =	sfence.sel $0x180000  }
0x75: {  	[bflag:$0x0] =	sbarrier.arrive $0xFFFF  }
0x76: {  	p0 =	sne.s32 s0, $0x0;
	_ =	strace $0x90000047  }
0x77: {  	s0 =	sadd.s32 @!p0 $0x100000, s2;
	[bflag:$0x2] =	sbarrier.arrive $0xFFFF  }
0x78: {  	[sflag:s0] =	ssyncadd.tile.s32 @!p0 $0x1;
	_ =	shalt  }
.Lfunc_end2:
_tile_overlayer_lowered:
.L_overlay_start_2:
0x79: {  	(tag) =	ssettag $0x2  }
0x7a: {  	s0 =	rddreg [dreg:$0x0];
	s2 =	stileid.u32  }
0x7b: {  	s1 =	rddreg [dreg:$0x1];
	p0 =	sne.s32 s2, $0x0  }
0x7c: {  	s3 =	rddreg [dreg:$0x2];
	[bflag:$0x3] =	sbarrier.arrive $0xFFFF;
	s2 =	simm.s32 @!p0 $0x1C01  }
0x7d: {  	[timem:s3], [sflag:s2] =	dma.local @!p0 [hbm:s0], s1  }
0x7e: {  	s0 =	simm.s32 @!p0 $0x1  }
0x7f: {  	_ =	swait.ge @!p0 [sflag:s0], s1  }
0x80: {  	s1 =	ssub.s32 @!p0 $0x0, s1;
	[sflag:s0] =	ssyncset.done @!p0 $0x0  }
0x81: {  	[sflag:s0] =	ssyncadd.s32 @!p0 s1  }
0x82: {  	[bflag:$0x3] =	sbarrier.arrive $0xFFFF  }
0x83: {  	_ =	shalt  }

</sc_bundles>
